<compile_context>
chip_gen: v7x
topology: tpu7x:2x2x1
jax: 0.10.2.dev20260603
libtpu: 0.0.44.dev20260713+nightly
codegen_flags: <defaults>
</compile_context>

<pallas_src>
import functools

import jax
import jax.numpy as jnp
from jax import lax
from jax.experimental import pallas as pl
from jax.experimental.pallas import tpu as pltpu
from jax.experimental.pallas import tpu_sc as plsc

VOCAB = 1000
EMBED_DIM = 64
D_PAD = 128


def _make_sc_gather():
    info = plsc.get_sparse_core_info()
    ns = info.num_subcores
    nc = 1
    b_per_w = 64

    mesh = plsc.VectorSubcoreMesh(
        core_axis_name="c", subcore_axis_name="s", num_cores=nc
    )

    @functools.partial(
        pl.kernel,
        mesh=mesh,
        out_type=jax.ShapeDtypeStruct((VOCAB, D_PAD), jnp.float32),
        scratch_types=[
            pltpu.VMEM((b_per_w,), jnp.int32),
            pltpu.VMEM((b_per_w, D_PAD), jnp.float32),
            pltpu.SemaphoreType.DMA,
        ],
    )
    def gather_kernel(table_hbm, idx_hbm, out_hbm, idx_v, rows_v, sem):
        wid = lax.axis_index("s") * nc + lax.axis_index("c")
        base = jnp.minimum(wid * b_per_w, VOCAB - b_per_w)
        pltpu.sync_copy(idx_hbm.at[pl.ds(base, b_per_w)], idx_v)
        pltpu.async_copy(table_hbm.at[idx_v], rows_v, sem).wait()
        pltpu.sync_copy(rows_v, out_hbm.at[pl.ds(base, b_per_w)])

    return gather_kernel


def _gemv_body(br, nblocks, e_hbm, w_ref, b_ref, out_ref, e_vmem, sem):
    i = pl.program_id(0)
    K = VOCAB * EMBED_DIM

    @pl.when(i == 0)
    def _():
        copy = pltpu.make_async_copy(e_hbm, e_vmem, sem)
        copy.start()
        copy.wait()
    w3 = w_ref[...].reshape(br // 8, 8, K)
    e3 = e_vmem[...].reshape(1, 1, K)
    out_ref[i] = jnp.sum(w3 * e3, axis=2)

    @pl.when(i == nblocks - 1)
    def _():
        logits = out_ref[...] + b_ref[...]
        m = jnp.max(logits)
        shifted = logits - m
        lse = jnp.log(jnp.sum(jnp.exp(shifted)))
        out_ref[...] = shifted - lse


def _gemv(e_flat, W, b3, br):
    K = VOCAB * EMBED_DIM
    nblocks = VOCAB // br
    return pl.pallas_call(
        functools.partial(_gemv_body, br, nblocks),
        grid=(nblocks,),
        in_specs=[
            pl.BlockSpec(memory_space=pl.ANY),
            pl.BlockSpec((br, K), lambda i: (i, 0)),
            pl.BlockSpec((nblocks, br // 8, 8), lambda i: (0, 0, 0)),
        ],
        out_specs=pl.BlockSpec((nblocks, br // 8, 8), lambda i: (0, 0, 0)),
        out_shape=jax.ShapeDtypeStruct((nblocks, br // 8, 8), jnp.float32),
        scratch_shapes=[
            pltpu.VMEM((1, K), jnp.float32),
            pltpu.SemaphoreType.DMA,
        ],
    )(e_flat, W, b3)


def kernel(x, embed, W, b):
    x = x.astype(jnp.int32)
    embed_pad = jnp.pad(embed, ((0, 0), (0, D_PAD - EMBED_DIM)))

    gather = _make_sc_gather()
    rows = gather(embed_pad, x)
    e_flat = rows[:, :EMBED_DIM].reshape(1, VOCAB * EMBED_DIM)

    br = 40
    nblocks = VOCAB // br
    out = _gemv(e_flat, W, b.reshape(nblocks, br // 8, 8), br=br)
    return out.reshape(1, VOCAB)

# --- scband reference (transcript-rebuilt; emitter-appended) ---
"""Pipeline reference for scband-sgns-77369540870145 (READ-ONLY COPY).

The authoritative reference and input builder live on the scoring server;
editing this copy changes nothing except your own understanding.
"""

import jax, jax.numpy as jnp
import numpy as np

VOCAB = 1000
EMBED_DIM = 64

def setup_inputs(seed: int = 0) -> dict:
    key = jax.random.key(seed)
    k1, k2, k3 = jax.random.split(key, 3)
    x = jax.random.randint(k1, (VOCAB,), 0, VOCAB)
    embed = jax.random.normal(k2, (VOCAB, EMBED_DIM), dtype=jnp.float32) * 0.02
    W = jax.random.normal(k3, (VOCAB, VOCAB * EMBED_DIM), dtype=jnp.float32) * 0.01
    b = jnp.zeros((VOCAB,), dtype=jnp.float32)
    return {"x": x, "embed": embed, "W": W, "b": b}

def reference(x, embed, W, b):
    # nn.Embedding lookup -> gather rows
    e = jnp.take(embed, x, axis=0)
    # .view(1, -1)
    e_flat = e.reshape(1, -1)
    # nn.Linear: y = x @ W.T + b
    logits = e_flat @ W.T + b
    # F.log_softmax(dim=1)
    log_probs = jax.nn.log_softmax(logits, axis=1)
    return log_probs

if __name__ == "__main__":
    import jax
    _d = setup_inputs()
    print(jax.jit(kernel)(*tuple(_d.values())))

</pallas_src>

<mosaic_0001>
#map = affine_map<(d0, d1) -> (0, 0)>
#map1 = affine_map<(d0, d1) -> (0)>
module attributes {stable_mosaic.version = 14 : i64} {
  func.func @gather_kernel(%arg0: i32, %arg1: i32, %arg2: memref<1000x128xf32, #tpu.memory_space<hbm>>, %arg3: memref<1000xi32, #tpu.memory_space<hbm>>, %arg4: memref<1000x128xf32, #tpu.memory_space<hbm>>, %arg5: memref<64xi32, #tpu.memory_space<vmem>>, %arg6: memref<64x128xf32, #tpu.memory_space<vmem>>, %arg7: memref<!tpu.dma_semaphore, #tpu.memory_space<semaphore_mem>>) attributes {dimension_semantics = [#tpu.dimension_semantics<core_parallel>, #tpu.dimension_semantics<subcore_parallel>], iteration_bounds = array<i64: 1, 16>, scalar_prefetch = 0 : i64, scratch_operands = 3 : i64, tpu.core_type = #tpu.core_type<sc_vector_subcore>, window_params = [{transform_indices = #map}, {transform_indices = #map1}, {transform_indices = #map}]} {
    %mul3A = arith.constant 1 : i32
    %mul3A_0 = arith.muli %arg1, %mul3A : i32
    %add3A = arith.addi %mul3A_0, %arg0 : i32
    %mul3A_1 = arith.constant 64 : i32
    %mul3A_2 = arith.muli %add3A, %mul3A_1 : i32
    %min3A = arith.constant 936 : i32
    %min3A_3 = arith.minsi %mul3A_2, %min3A : i32
    "tpu.region"() ({
      %run_scoped3A = tpu.sem_alloc : memref<!tpu.dma_semaphore, #tpu.memory_space<semaphore_mem>>
      %dma_start3A_8 = tpu.memref_slice %arg3[%min3A_3] : memref<1000xi32, #tpu.memory_space<hbm>> -> memref<64xi32, #tpu.memory_space<hbm>>
      %dma_start3A_9 = tpu.memref_slice %arg3[%min3A_3] : memref<1000xi32, #tpu.memory_space<hbm>> -> memref<64xi32, #tpu.memory_space<hbm>>
      tpu.enqueue_dma source(%dma_start3A_9 : memref<64xi32, #tpu.memory_space<hbm>>) target(%arg5 : memref<64xi32, #tpu.memory_space<vmem>>) target_semaphore(%run_scoped3A : memref<!tpu.dma_semaphore, #tpu.memory_space<semaphore_mem>>)
      %dma_wait3A_10 = tpu.memref_slice %arg3[%min3A_3] : memref<1000xi32, #tpu.memory_space<hbm>> -> memref<64xi32, #tpu.memory_space<hbm>>
      %dma_wait3A_11 = tpu.memref_slice %arg3[%min3A_3] : memref<1000xi32, #tpu.memory_space<hbm>> -> memref<64xi32, #tpu.memory_space<hbm>>
      tpu.wait_dma2 semaphore(%run_scoped3A : memref<!tpu.dma_semaphore, #tpu.memory_space<semaphore_mem>>) src(%dma_wait3A_11 : memref<64xi32, #tpu.memory_space<hbm>>) dst(%arg5 : memref<64xi32, #tpu.memory_space<vmem>>)
      tpu.yield
    }) : () -> ()
    %dma_start3A = arith.constant 0 : i32
    %dma_start3A_4 = arith.constant 0 : i32
    %dma_start3A_5 = tpu.memref_slice %arg2[%dma_start3A, %dma_start3A_4] : memref<1000x128xf32, #tpu.memory_space<hbm>> -> memref<1000x128xf32, #tpu.memory_space<hbm>>
    tpu.enqueue_indirect_dma source(%dma_start3A_5 : memref<1000x128xf32, #tpu.memory_space<hbm>>) target(%arg6 : memref<64x128xf32, #tpu.memory_space<vmem>>) offsets(%arg5 : memref<64xi32, #tpu.memory_space<vmem>>) semaphore(%arg7 : memref<!tpu.dma_semaphore, #tpu.memory_space<semaphore_mem>>)
    %dma_wait3A = arith.constant 0 : i32
    %dma_wait3A_6 = arith.constant 0 : i32
    %dma_wait3A_7 = tpu.memref_slice %arg2[%dma_wait3A, %dma_wait3A_6] : memref<1000x128xf32, #tpu.memory_space<hbm>> -> memref<1000x128xf32, #tpu.memory_space<hbm>>
    tpu.wait_indirect_dma semaphore(%arg7 : memref<!tpu.dma_semaphore, #tpu.memory_space<semaphore_mem>>) src(%dma_wait3A_7 : memref<1000x128xf32, #tpu.memory_space<hbm>>) dst(%arg6 : memref<64x128xf32, #tpu.memory_space<vmem>>)
    "tpu.region"() ({
      %run_scoped3A = tpu.sem_alloc : memref<!tpu.dma_semaphore, #tpu.memory_space<semaphore_mem>>
      %dma_start3A_8 = arith.constant 0 : i32
      %dma_start3A_9 = tpu.memref_slice %arg4[%min3A_3, %dma_start3A_8] : memref<1000x128xf32, #tpu.memory_space<hbm>> -> memref<64x128xf32, #tpu.memory_space<hbm>>
      %dma_start3A_10 = arith.constant 0 : i32
      %dma_start3A_11 = tpu.memref_slice %arg4[%min3A_3, %dma_start3A_10] : memref<1000x128xf32, #tpu.memory_space<hbm>> -> memref<64x128xf32, #tpu.memory_space<hbm>>
      tpu.enqueue_dma source(%arg6 : memref<64x128xf32, #tpu.memory_space<vmem>>) target(%dma_start3A_11 : memref<64x128xf32, #tpu.memory_space<hbm>>) target_semaphore(%run_scoped3A : memref<!tpu.dma_semaphore, #tpu.memory_space<semaphore_mem>>)
      %dma_wait3A_12 = arith.constant 0 : i32
      %dma_wait3A_13 = tpu.memref_slice %arg4[%min3A_3, %dma_wait3A_12] : memref<1000x128xf32, #tpu.memory_space<hbm>> -> memref<64x128xf32, #tpu.memory_space<hbm>>
      %dma_wait3A_14 = arith.constant 0 : i32
      %dma_wait3A_15 = tpu.memref_slice %arg4[%min3A_3, %dma_wait3A_14] : memref<1000x128xf32, #tpu.memory_space<hbm>> -> memref<64x128xf32, #tpu.memory_space<hbm>>
      tpu.wait_dma2 semaphore(%run_scoped3A : memref<!tpu.dma_semaphore, #tpu.memory_space<semaphore_mem>>) src(%arg6 : memref<64x128xf32, #tpu.memory_space<vmem>>) dst(%dma_wait3A_15 : memref<64x128xf32, #tpu.memory_space<hbm>>)
      tpu.yield
    }) : () -> ()
    return
  }
}

module attributes {stable_mosaic.version = 14 : i64} {
  func.func @_gemv_body(%arg0: i32, %arg1: memref<1x64000xf32, #tpu.memory_space<any>>, %arg2: memref<40x64000xf32, #tpu.memory_space<vmem>>, %arg3: memref<25x5x8xf32, #tpu.memory_space<vmem>>, %arg4: memref<25x5x8xf32, #tpu.memory_space<vmem>>, %arg5: memref<1x64000xf32, #tpu.memory_space<vmem>>, %arg6: memref<!tpu.dma_semaphore, #tpu.memory_space<semaphore_mem>>) attributes {dimension_semantics = [#tpu.dimension_semantics<arbitrary>], iteration_bounds = array<i64: 25>, scalar_prefetch = 0 : i64, scratch_operands = 2 : i64, tpu.core_type = #tpu.core_type<tc>, window_params = [{}, {transform_indices = @transform_1, window_bounds = array<i64: 40, 64000>}, {pipeline_mode = #tpu.pipeline_mode<synchronous>, transform_indices = @transform_2, window_bounds = array<i64: 25, 5, 8>}, {pipeline_mode = #tpu.pipeline_mode<synchronous>, transform_indices = @transform_3, window_bounds = array<i64: 25, 5, 8>}]} {
    %eq3A = arith.constant 0 : i32
    %eq3A_0 = arith.cmpi eq, %arg0, %eq3A : i32
    %convert_element_type3A = arith.extui %eq3A_0 : i1 to i32
    %cond3A = arith.constant 0 : i32
    %cond3A_1 = arith.cmpi ne, %convert_element_type3A, %cond3A : i32
    scf.if %cond3A_1 {
      tpu.enqueue_dma source(%arg1 : memref<1x64000xf32, #tpu.memory_space<any>>) target(%arg5 : memref<1x64000xf32, #tpu.memory_space<vmem>>) target_semaphore(%arg6 : memref<!tpu.dma_semaphore, #tpu.memory_space<semaphore_mem>>)
      tpu.wait_dma2 semaphore(%arg6 : memref<!tpu.dma_semaphore, #tpu.memory_space<semaphore_mem>>) src(%arg1 : memref<1x64000xf32, #tpu.memory_space<any>>) dst(%arg5 : memref<1x64000xf32, #tpu.memory_space<vmem>>)
    } else {
    }
    %get3A = arith.constant 0 : index
    %get3A_2 = arith.constant 0 : index
    %get3A_3 = vector.load %arg2[%get3A, %get3A_2] : memref<40x64000xf32, #tpu.memory_space<vmem>>, vector<40x64000xf32>
    %reshape3A = vector.shape_cast %get3A_3 : vector<40x64000xf32> to vector<5x8x64000xf32>
    %get3A_4 = arith.constant 0 : index
    %get3A_5 = arith.constant 0 : index
    %get3A_6 = vector.load %arg5[%get3A_4, %get3A_5] : memref<1x64000xf32, #tpu.memory_space<vmem>>, vector<1x64000xf32>
    %reshape3A_7 = vector.shape_cast %get3A_6 : vector<1x64000xf32> to vector<1x1x64000xf32>
    %mul3A = vector.broadcast %reshape3A_7 : vector<1x1x64000xf32> to vector<5x8x64000xf32>
    %mul3A_8 = arith.mulf %reshape3A, %mul3A : vector<5x8x64000xf32>
    %reduce_sum3A = arith.constant dense<0.000000e+00> : vector<5x8xf32>
    %reduce_sum3A_9 = vector.multi_reduction <add>, %mul3A_8, %reduce_sum3A [2] : vector<5x8x64000xf32> to vector<5x8xf32>
    %swap3A = arith.index_cast %arg0 : i32 to index
    %swap3A_10 = arith.constant 0 : index
    %swap3A_11 = arith.constant 0 : index
    %swap3A_12 = vector.load %arg4[%swap3A, %swap3A_10, %swap3A_11] : memref<25x5x8xf32, #tpu.memory_space<vmem>>, vector<1x5x8xf32>
    %swap3A_13 = vector.shape_cast %swap3A_12 : vector<1x5x8xf32> to vector<5x8xf32>
    %swap3A_14 = vector.shape_cast %reduce_sum3A_9 : vector<5x8xf32> to vector<1x5x8xf32>
    tpu.vector_store %arg4[%swap3A, %swap3A_10, %swap3A_11], %swap3A_14 {strides = array<i32>} : memref<25x5x8xf32, #tpu.memory_space<vmem>>, vector<1x5x8xf32>,
    %eq3A_15 = arith.constant 24 : i32
    %eq3A_16 = arith.cmpi eq, %arg0, %eq3A_15 : i32
    %convert_element_type3A_17 = arith.extui %eq3A_16 : i1 to i32
    %cond3A_18 = arith.constant 0 : i32
    %cond3A_19 = arith.cmpi ne, %convert_element_type3A_17, %cond3A_18 : i32
    scf.if %cond3A_19 {
      %get3A_20 = arith.constant 0 : index
      %get3A_21 = arith.constant 0 : index
      %get3A_22 = arith.constant 0 : index
      %get3A_23 = vector.load %arg4[%get3A_20, %get3A_21, %get3A_22] : memref<25x5x8xf32, #tpu.memory_space<vmem>>, vector<25x5x8xf32>
      %get3A_24 = arith.constant 0 : index
      %get3A_25 = arith.constant 0 : index
      %get3A_26 = arith.constant 0 : index
      %get3A_27 = vector.load %arg3[%get3A_24, %get3A_25, %get3A_26] : memref<25x5x8xf32, #tpu.memory_space<vmem>>, vector<25x5x8xf32>
      %add3A = arith.addf %get3A_23, %get3A_27 : vector<25x5x8xf32>
      %reduce_max3A = vector.shape_cast %add3A : vector<25x5x8xf32> to vector<1x25x5x8xf32>
      %reduce_max3A_28 = arith.constant dense<0xFF800000> : vector<1xf32>
      %reduce_max3A_29 = vector.multi_reduction <maximumf>, %reduce_max3A, %reduce_max3A_28 [1, 2, 3] : vector<1x25x5x8xf32> to vector<1xf32>
      %reduce_max3A_30 = vector.shape_cast %reduce_max3A_29 : vector<1xf32> to vector<1x1x1x1xf32>
      %reduce_max3A_31 = vector.extract %reduce_max3A_30[0, 0, 0, 0] : f32 from vector<1x1x1x1xf32>
      %sub3A = vector.broadcast %reduce_max3A_31 : f32 to vector<25x5x8xf32>
      %sub3A_32 = arith.subf %add3A, %sub3A : vector<25x5x8xf32>
      %exp3A = math.exp %sub3A_32 : vector<25x5x8xf32>
      %reduce_sum3A_33 = vector.shape_cast %exp3A : vector<25x5x8xf32> to vector<1x25x5x8xf32>
      %reduce_sum3A_34 = arith.constant dense<0.000000e+00> : vector<1xf32>
      %reduce_sum3A_35 = vector.multi_reduction <add>, %reduce_sum3A_33, %reduce_sum3A_34 [1, 2, 3] : vector<1x25x5x8xf32> to vector<1xf32>
      %reduce_sum3A_36 = vector.shape_cast %reduce_sum3A_35 : vector<1xf32> to vector<1x1x1x1xf32>
      %reduce_sum3A_37 = vector.extract %reduce_sum3A_36[0, 0, 0, 0] : f32 from vector<1x1x1x1xf32>
      %log3A = math.log %reduce_sum3A_37 : f32
      %sub3A_38 = vector.broadcast %log3A : f32 to vector<25x5x8xf32>
      %sub3A_39 = arith.subf %sub3A_32, %sub3A_38 : vector<25x5x8xf32>
      %swap3A_40 = arith.constant 0 : index
      %swap3A_41 = arith.constant 0 : index
      %swap3A_42 = arith.constant 0 : index
      %swap3A_43 = vector.load %arg4[%swap3A_40, %swap3A_41, %swap3A_42] : memref<25x5x8xf32, #tpu.memory_space<vmem>>, vector<25x5x8xf32>
      tpu.vector_store %arg4[%swap3A_40, %swap3A_41, %swap3A_42], %sub3A_39 {strides = array<i32>} : memref<25x5x8xf32, #tpu.memory_space<vmem>>, vector<25x5x8xf32>,
    } else {
    }
    return
  }
  func.func @transform_1(%arg0: i32) -> (i32, i32) {
    %c0_i32 = arith.constant 0 : i32
    %c0_i32_0 = arith.constant 0 : i32
    return %arg0, %c0_i32 : i32, i32
  }
  func.func @transform_2(%arg0: i32) -> (i32, i32, i32) {
    %c0_i32 = arith.constant 0 : i32
    %c0_i32_0 = arith.constant 0 : i32
    %c0_i32_1 = arith.constant 0 : i32
    %c0_i32_2 = arith.constant 0 : i32
    return %c0_i32, %c0_i32_0, %c0_i32_1 : i32, i32, i32
  }
  func.func @transform_3(%arg0: i32) -> (i32, i32, i32) {
    %c0_i32 = arith.constant 0 : i32
    %c0_i32_0 = arith.constant 0 : i32
    %c0_i32_1 = arith.constant 0 : i32
    %c0_i32_2 = arith.constant 0 : i32
    return %c0_i32, %c0_i32_0, %c0_i32_1 : i32, i32, i32
  }
}

</mosaic_0001>

<sc_bundles>
// kernel: kernel.4.cloned.1.call-start
scs
__scs_entry_jumppad:
0x0: {  	(pc) =	sbr.rel $0x88, $3  }
0x1: {  	(tag) =	ssettag $0x0;
	lr =	simm.s32 $0x1  }
0x2: {  	[smem:$0x3F9D] =	sst lr;
	_ =	strace $0xD0000000  }
0x3: {  	_ = 	snop  }
0x4: {  	_ = 	snop  }
0x5: {  	_ = 	snop  }
0x6: {  	_ = 	snop  }
0x7: {  	_ = 	snop  }
__scs_overlays_trampoline_lowered:
0x8: {  	[smem:$0x3FAC] =	sst s0  }
0x9: {  	[smem:$0x3FAD] =	sst s1  }
0xa: {  	[smem:$0x3FAE] =	sst s2  }
0xb: {  	[smem:$0x3FAF] =	sst s3  }
0xc: {  	[smem:$0x3FB0] =	sst s4  }
0xd: {  	[smem:$0x3FB1] =	sst s5  }
0xe: {  	[smem:$0x3FB2] =	sst s6  }
0xf: {  	[smem:$0x3FB3] =	sst s7  }
0x10: {  	[smem:$0x3FB4] =	sst s8  }
0x11: {  	[smem:$0x3FB5] =	sst s9;
	s0 =	simm.s32 @!p0 $0x0  }
0x12: {  	s1 =	sld [smem:$0x3F9B];
	s0 =	simm.s32 @p0 $0x1  }
0x13: {  	[smem:$0x3FB6] =	sst s0;
	s0 =	simm.s32 @!p1 $0x0  }
0x14: {  	s2 =	sld [smem:$0x3F9A];
	s0 =	simm.s32 @p1 $0x1  }
0x15: {  	[smem:$0x3FB7] =	sst s0;
	s0 =	simm.s32 @!p2 $0x0  }
0x16: {  	s3 =	sld [smem:$0x3FDB];
	s0 =	simm.s32 @p2 $0x1  }
0x17: {  	s4 =	simm.s32 $0x1BF5;
	[smem:$0x3FB9] =	sst s0  }
0x18: {  	s0 =	sld [smem:$0x3F9C];
	_ =	swait.ge [sflag:s4], $0x0  }
0x19: {  	s7 =	sld [smem:$0x3F9D]  }
0x1a: {  	s8 =	sadd.s32 $0xFFFFE003, lr  }
0x1b: {  	s9 =	sadd.s32 $0xFFFFFEF7, lr;
	s5 =	simm.s32 $0xFFFFFFFF;
	p2 =	slt.u32 s8, $0xFFFFF086  }
0x1c: {  	p1 =	slt.u32 s9, $0xF7A;
	s5 =	simm.s32 @!p2 $0x0  }
0x1d: {  	s5 =	simm.s32 @p1 $0x1;
	p0 =	seq.s32 s7, s2  }
0x1e: {  	s7 =	smul.u32 @!p0 $0xF7A, s2;
	p2 =	seq.s32 @!p0 s5, $0x0  }
0x1f: {  	s9 =	smul.u32 $0xF7A, s1;
	s8 =	simm.s32 @!p0 $0x1BF5;
	p2 =	por !p2, p0  }
0x20: {  	[sflag:s8] =	ssyncset.s32 @!p0 $0xFFFFF086;
	s6 =	sadd.s32 @!p0 s3, s7;
	s7 =	simm.s32 @!p0 $0x108  }
0x21: {  	s3 =	sadd.s32 s3, s9;
	s6 =	sadd.s32 @!p0 $0x88, s6;
	s7 =	simm.s32 @p2 $0x1082  }
0x22: {  	[simem:s7], [sflag:s8] =	dma.local @!p0 [hbm:s6], $0xF7A  }
0x23: {  	s9 =	sor.u32 $0xD0000000, s2;
	s6 =	simm.s32 $0x108;
	_ =	swait.ge @!p0 [sflag:s8], $0x0  }
0x24: {  	s3 =	sadd.s32 $0x88, s3;
	s6 =	simm.s32 @!p1 $0x1082;
	[sflag:s4] =	ssyncset.s32 $0xFFFFF086  }
0x25: {  	[simem:s6], [sflag:s4] =	dma.local [hbm:s3], $0xF7A  }
0x26: {  	[smem:$0x3F9D] =	sst s1;
	(tag) =	ssettag s2;
	_ =	strace s9  }
0x27: {  	s1 =	sld [smem:$0x3FAD]  }
0x28: {  	s2 =	sld [smem:$0x3FAE]  }
0x29: {  	s4 =	sld [smem:$0x3FB0]  }
0x2a: {  	p0 =	seq.s32 s5, $0x0;
	s5 =	sld [smem:$0x3FB1]  }
0x2b: {  	s6 =	sld [smem:$0x3FB2]  }
0x2c: {  	s7 =	sld [smem:$0x3FB3]  }
0x2d: {  	s3 =	simm.s32 $0x108;
	s8 =	sld [smem:$0x3FB4]  }
0x2e: {  	s3 =	simm.s32 @!p0 $0x1082;
	s9 =	sld [smem:$0x3FB5]  }
0x2f: {  	lr =	sadd.s32 s0, s3;
	s0 =	sld [smem:$0x3FAC]  }
0x30: {  	s3 =	sld [smem:$0x3FAF]  }
0x31: {  	[smem:$0x3FB8] =	sst s10  }
0x32: {  	s10 =	sld [smem:$0x3FB6];
	_ =	sdelay $0x3  }
0x33: {  	p0 =	seq.s32 s10, $0x1;
	s10 =	sld [smem:$0x3FB8];
	_ =	sdelay $0x3  }
0x34: {  	[smem:$0x3FB8] =	sst s10  }
0x35: {  	s10 =	sld [smem:$0x3FB7];
	_ =	sdelay $0x3  }
0x36: {  	p1 =	seq.s32 s10, $0x1;
	s10 =	sld [smem:$0x3FB8];
	_ =	sdelay $0x3  }
0x37: {  	[smem:$0x3FB8] =	sst s10  }
0x38: {  	s10 =	sld [smem:$0x3FB9]  }
0x39: {  	_ = 	snop;
	(pc) =	sbr.ind lr, $3  }
0x3a: {  	_ = 	snop  }
0x3b: {  	_ = 	snop  }
0x3c: {  	p2 =	seq.s32 s10, $0x1;
	s10 =	sld [smem:$0x3FB8]  }
0x3d: {  	_ =	shalt  }
0x3e: {  	_ =	shalt  }
0x3f: {  	_ =	shalt  }
0x40: {  	_ =	shalt  }
0x41: {  	_ =	shalt  }
0x42: {  	_ =	shalt  }
0x43: {  	_ =	shalt  }
0x44: {  	_ =	shalt  }
0x45: {  	_ =	shalt  }
0x46: {  	_ =	shalt  }
0x47: {  	_ =	shalt  }
0x48: {  	_ =	shalt  }
0x49: {  	_ =	shalt  }
0x4a: {  	_ =	shalt  }
0x4b: {  	_ =	shalt  }
0x4c: {  	_ =	shalt  }
0x4d: {  	_ =	shalt  }
0x4e: {  	_ =	shalt  }
0x4f: {  	_ =	shalt  }
0x50: {  	_ =	shalt  }
0x51: {  	_ =	shalt  }
0x52: {  	_ =	shalt  }
0x53: {  	_ =	shalt  }
0x54: {  	_ =	shalt  }
0x55: {  	_ =	shalt  }
0x56: {  	_ =	shalt  }
0x57: {  	_ =	shalt  }
0x58: {  	_ =	shalt  }
0x59: {  	_ =	shalt  }
0x5a: {  	_ =	shalt  }
0x5b: {  	_ =	shalt  }
0x5c: {  	_ =	shalt  }
0x5d: {  	_ =	shalt  }
0x5e: {  	_ =	shalt  }
0x5f: {  	_ =	shalt  }
0x60: {  	_ =	shalt  }
0x61: {  	_ =	shalt  }
0x62: {  	_ =	shalt  }
0x63: {  	_ =	shalt  }
0x64: {  	_ =	shalt  }
0x65: {  	_ =	shalt  }
0x66: {  	_ =	shalt  }
0x67: {  	_ =	shalt  }
0x68: {  	_ =	shalt  }
0x69: {  	_ =	shalt  }
0x6a: {  	_ =	shalt  }
0x6b: {  	_ =	shalt  }
0x6c: {  	_ =	shalt  }
0x6d: {  	_ =	shalt  }
0x6e: {  	_ =	shalt  }
0x6f: {  	_ =	shalt  }
0x70: {  	_ =	shalt  }
0x71: {  	_ =	shalt  }
0x72: {  	_ =	shalt  }
0x73: {  	_ =	shalt  }
0x74: {  	_ =	shalt  }
0x75: {  	_ =	shalt  }
0x76: {  	_ =	shalt  }
0x77: {  	_ =	shalt  }
0x78: {  	_ =	shalt  }
0x79: {  	_ =	shalt  }
0x7a: {  	_ =	shalt  }
0x7b: {  	_ =	shalt  }
0x7c: {  	_ =	shalt  }
0x7d: {  	_ =	shalt  }
0x7e: {  	_ =	shalt  }
0x7f: {  	_ =	shalt  }
0x80: {  	_ =	shalt  }
0x81: {  	_ =	shalt  }
0x82: {  	_ =	shalt  }
0x83: {  	_ =	shalt  }
0x84: {  	_ =	shalt  }
0x85: {  	_ =	shalt  }
0x86: {  	_ =	shalt  }
0x87: {  	_ =	shalt  }
.Lfunc_end0:
.L_simem_size_0:
called_computation_lowered:
.L_overlay_start_0:
0x88: {  	s0 =	sld [smem:$0x3FD9]  }
0x89: {  	s1 =	sld [smem:$0x3FFE];
	_ =	sdelay $0x3  }
0x8a: {  	s0 =	sadd.s32 s1, s0  }
0x8b: {  	[smem:$0x3FC4] =	sst s0  }
0x8c: {  	_ = 	snop  }
0x8d: {  	s0 =	sld [smem:$0x3FC9];
	(tm) =	ssettm $0x1  }
0x8e: {  	s16 =	sld [smem:$0x3FFB];
	_ =	sdelay $0x3  }
0x8f: {  	_ =	strace s16  }
0x90: {  	s1 =	sld [smem:$0x3FFC];
	_ =	sdelay $0x3  }
0x91: {  	_ =	strace s1  }
0x92: {  	s1 =	sld [smem:$0x3FFD];
	_ =	sdelay $0x3  }
0x93: {  	_ =	strace s1  }
0x94: {  	_ =	strace $0x8FFFFFFF  }
0x95: {  	s17 =	sld [smem:$0x3FDB];
	_ =	sdelay $0x1  }
0x96: {  	s2 =	simm.s32 $_scs_section_size  }
0x97: {  	s3 =	simm.s32 $_size__tile_overlayer_lowered;
	s4 =	simm.s32 $_tile_overlayer_lowered  }
0x98: {  	s20 =	simm.s32 $0x1BFF;
	s19 =	sshll.u32 s4, $0x1;
	s1 =	sadd.s32 s2, s17  }
0x99: {  	s5 =	simm.s32 $0x0;
	s18 =	sshll.u32 s3, $0x1;
	s3 =	sadd.s32 s19, s1  }
0x9a: {  	[timem:s5], [sflag:s20] =	dma.local [hbm:s3], s18  }
0x9b: {  	_ =	swait.ge [sflag:s20], s18  }
0x9c: {  	s2 =	ssub.s32 $0x0, s18;
	[sflag:s20] =	ssyncset.done $0x0  }
0x9d: {  	[sflag:s20] =	ssyncadd.s32 s2;
	_ =	sdelay $0x1  }
0x9e: {  	s21 =	simm.s32 $0x1B8B  }
0x9f: {  	_ =	swait.ge [sflag:s21], $0x1  }
0xa0: {  	[sflag:s21] =	ssyncset.done $0x0  }
0xa1: {  	s23 =	simm.s32 $0x1B8E;
	s22 =	sld [smem:$0x3FFE];
	[sflag:s21] =	ssyncadd.s32 $0xFFFFFFFF  }
0xa2: {  	s24 =	simm.s32 $execute0_lowered;
	[smem:$0x3FD2] =	sst s23  }
0xa3: {  	s3 =	sshll.u32 s24, $0x1;
	_ =	strace $0x80000046;
	[dreg:$0x1] =	wrdreg $0xFFFFFFFF  }
0xa4: {  	s25 =	simm.s32 $_size_execute0_lowered;
	s1 =	sadd.s32 s1, s3;
	[dreg:$0x0] =	wrdreg $0x0  }
0xa5: {  	s3 =	sshll.u32 s25, $0x1;
	[dreg:$0x2] =	wrdreg s1  }
0xa6: {  	[dreg:$0x3] =	wrdreg s3  }
0xa7: {  	[dreg:$0x4] =	wrdreg $0xC0  }
0xa8: {  	_ =	task [dreg:s5], $0x5FFFF  }
0xa9: {  	[dreg:$0x1] =	wrdreg $0xFFFFFFFF  }
0xaa: {  	[dreg:$0x0] =	wrdreg $0x60  }
0xab: {  	[dreg:$0x2] =	wrdreg s22  }
0xac: {  	[dreg:$0x3] =	wrdreg s0  }
0xad: {  	[dreg:$0x4] =	wrdreg $0x9  }
0xae: {  	_ =	task.clear_ibuf [dreg:s5], $0x5FFFF;
	_ =	strace $0x90000046  }
0xaf: {  	s26 =	simm.s32 $0x9;
	_ =	strace $0x80000048  }
0xb0: {  	_ =	swait.ge [sflag:s26], $0x1  }
0xb1: {  	[sflag:s26] =	ssyncadd.s32 $0xFFFFFFFF  }
0xb2: {  	_ =	strace $0x90000048  }
0xb3: {  	_ =	sfence  }
0xb4: {  	s28 =	sld [smem:$0x0];
	_ =	sdelay $0x1  }
0xb5: {  	s29 =	srdreg.scid  }
0xb6: {  	s30 =	sshll.u32 s29, $0xD;
	s31 =	sshrl.u32 s29, $0x2  }
0xb7: {  	s2 =	sand.u32 $0x4000, s30;
	s1 =	sand.u32 $0x1, s29;
	s0 =	sadd.s32 s31, s28  }
0xb8: {  	s1 =	sor.u32 s2, s1;
	s0 =	sshll.u32 s0, $0x11  }
0xb9: {  	s0 =	sor.u32 s0, s1  }
0xba: {  	s0 =	sadd.s32 $0x8F2B, s0  }
0xbb: {  	[sflag:s0] =	ssyncadd.remote.s32 $0x1  }
0xbc: {  	_ =	sfence.sel $0xFFFF  }
0xbd: {  	[dreg:$0x0] =	wrdreg $0xFFFFFFFF;
	(pc) =	sbr.abs _section_cstart, $3  }
0xbe: {  	[dreg:$0x1] =	wrdreg $0xFFFFFFFF  }
0xbf: {  	_ =	task.clear_ibuf [dreg:s5], $0x2FFFF;
	_ =	strace $0x9FFFFFFF  }
0xc0: {  	(tm) =	ssettm $0x7FFFFFFF  }
0xc1: {  	_ =	shalt  }
tec
execute0_lowered:
.L_overlay_start_1:
0x0: {  	(tag) =	ssettag $0x1  }
0x1: {  	s0 =	rddreg [dreg:$0x0];
	s1 =	stileid.u32  }
0x2: {  	s2 =	rddreg [dreg:$0x1];
	s3 =	sshll.u32 s1, $0x6  }
0x3: {  	s4 =	rddreg [dreg:$0x2];
	s5 =	simm.s32 $0x0;
	s3 =	smin.u32 s3, $0x3A8  }
0x4: {  	[smem:$0x7FF] =	sst s5;
	s6 =	sshrl.u32 s3, $0x3  }
0x5: {  	s29 =	simm.s32 $0x2;
	_ =	strace $0x80000047;
	s2 =	sadd.s32 s2, s6  }
0x6: {  	[tilespmem:s5], [sflag:$0x2] =	stream.linear.gather [hbm4b:s2+s5], $0x40, $0x38;
	[tilespmem:$0x2080] =	vst v63  }
0x7: {  	_ =	swait.ge [sflag:s29], $0x40  }
0x8: {  	s7 =	simm.s32 $0x40;
	s8 =	simm.s32 $0x80;
	[sflag:s29] =	ssyncset.done $0x0  }
0x9: {  	s31 =	simm.s32 $0x1;
	s30 =	sadd.s32 $0x400, s0;
	[sflag:s29] =	ssyncadd.s32 $0xFFFFFFC0  }
0xa: {  	[tilespmem:s8], [sflag:$0x1] =	stream.indirect.gather [hbm4b:s30+s7], $0x80, s5, s7, $0xb8;
	[tilespmem:$0x2080] =	vst v63  }
0xb: {  	s3 =	sshll.u32 s3, $0x4;
	_ =	swait.ge [sflag:s31], $0x2000  }
0xc: {  	s0 =	sadd.s32 s3, s0;
	[sflag:s31] =	ssyncset.done $0x0  }
0xd: {  	s0 =	sadd.s32 $0x4400, s0;
	[sflag:s31] =	ssyncadd.s32 $0xFFFFE000  }
0xe: {  	[hbm4b:s0+s5] =	stream.linear.scatter [tilespmem:s8], [sflag:$0x2], $0x2000, $0x38;
	[tilespmem:$0x2080] =	vst v63  }
0xf: {  	_ =	swait.ge [sflag:s29], $0x2000  }
0x10: {  	[sflag:s29] =	ssyncset.done $0x0  }
0x11: {  	[sflag:s29] =	ssyncadd.s32 $0xFFFFE000  }
0x12: {  	_ =	sfence.sel $0x180000  }
0x13: {  	[bflag:$0x0] =	sbarrier.arrive $0xFFFF  }
0x14: {  	p0 =	sne.s32 s1, $0x0;
	_ =	strace $0x90000047  }
0x15: {  	s0 =	sadd.s32 @!p0 $0x100000, s4;
	[bflag:$0x2] =	sbarrier.arrive $0xFFFF  }
0x16: {  	[sflag:s0] =	ssyncadd.tile.s32 @!p0 $0x1;
	_ =	shalt  }
.Lfunc_end2:
_tile_overlayer_lowered:
.L_overlay_start_2:
0x17: {  	(tag) =	ssettag $0x2  }
0x18: {  	s0 =	rddreg [dreg:$0x0];
	s2 =	stileid.u32  }
0x19: {  	s1 =	rddreg [dreg:$0x1];
	p0 =	sne.s32 s2, $0x0  }
0x1a: {  	s3 =	rddreg [dreg:$0x2];
	[bflag:$0x3] =	sbarrier.arrive $0xFFFF;
	s2 =	simm.s32 @!p0 $0x1C02  }
0x1b: {  	[timem:s3], [sflag:s2] =	dma.local @!p0 [hbm:s0], s1  }
0x1c: {  	s0 =	simm.s32 @!p0 $0x2  }
0x1d: {  	_ =	swait.ge @!p0 [sflag:s0], s1  }
0x1e: {  	s1 =	ssub.s32 @!p0 $0x0, s1;
	[sflag:s0] =	ssyncset.done @!p0 $0x0  }
0x1f: {  	[sflag:s0] =	ssyncadd.s32 @!p0 s1  }
0x20: {  	[bflag:$0x3] =	sbarrier.arrive $0xFFFF  }
0x21: {  	_ =	shalt  }

</sc_bundles>
